<compile_context>
chip_gen: v7x
topology: tpu7x:2x2x1
jax: 0.10.2.dev20260603
libtpu: 0.0.44.dev20260713+nightly
codegen_flags: <defaults>
</compile_context>

<pallas_src>
import functools

import jax
import jax.numpy as jnp
from jax import lax
from jax.experimental import pallas as pl
from jax.experimental.pallas import tpu as pltpu
from jax.experimental.pallas import tpu_sc as plsc

_COMMITMENT_COST = 0.5


def _vq_body(z_ref, emb_ref, idx_ref, fidx_ref, loss_ref, *,
             num_heads, head_dim, num_codes):
    z = z_ref[...]
    idx_cols = []
    fidx_cols = []
    total = jnp.zeros((), jnp.float32)
    for h in range(num_heads):
        zh = z[:, h * head_dim:(h + 1) * head_dim]
        eh = emb_ref[h]
        prod = jnp.dot(zh, eh.T, preferred_element_type=jnp.float32)
        zsq = jnp.sum(zh * zh, axis=1, keepdims=True)
        csq = jnp.sum(eh * eh, axis=1)
        dist = zsq + csq[None, :] - 2.0 * prod
        minv = jnp.min(dist, axis=1, keepdims=True)
        iota_f = jax.lax.broadcasted_iota(jnp.int32, dist.shape, 1).astype(jnp.float32)
        idx_f = jnp.min(jnp.where(dist == minv, iota_f, float(num_codes)),
                        axis=1, keepdims=True)
        idx_cols.append(idx_f)
        fidx_cols.append(idx_f + float(h * num_codes))
        total = total + jnp.sum(minv)

    idx_ref[...] = jnp.concatenate(idx_cols, axis=1).astype(jnp.int32)
    fidx_ref[...] = jnp.concatenate(fidx_cols, axis=1).astype(jnp.int32)
    total2d = total.reshape(1, 1)

    @pl.when(pl.program_id(0) == 0)
    def _init():
        loss_ref[...] = total2d

    @pl.when(pl.program_id(0) != 0)
    def _acc():
        loss_ref[...] += total2d


def _make_sc_gather(num_rows, row_dim, num_workers, chunk, nbuf=4, lookahead=2):
    rows_per_w = num_rows // num_workers
    n = rows_per_w // chunk
    assert lookahead < nbuf and n > nbuf
    assert (n - lookahead - lookahead) % nbuf == 0
    mesh = plsc.VectorSubcoreMesh(core_axis_name="c", subcore_axis_name="s")

    row_buf_types = [pltpu.VMEM((chunk, row_dim), jnp.float32)] * nbuf
    sem_types = [pltpu.SemaphoreType.DMA] * (2 * nbuf)

    @functools.partial(
        pl.kernel,
        mesh=mesh,
        out_type=jax.ShapeDtypeStruct((num_rows, row_dim), jnp.float32),
        scratch_types=[pltpu.VMEM((n, chunk), jnp.int32)] + row_buf_types + sem_types,
    )
    def sc_gather(table_hbm, fidx_hbm, out_hbm, idx_all, *bufs_and_sems):
        rows = bufs_and_sems[:nbuf]
        gsem = bufs_and_sems[nbuf:2 * nbuf]
        wsem = bufs_and_sems[2 * nbuf:]
        num_cores = lax.axis_size("c")
        wid = lax.axis_index("s") * num_cores + lax.axis_index("c")
        base = wid * rows_per_w

        pltpu.sync_copy(fidx_hbm.at[pl.ds(wid * n, n)], idx_all)

        PROBE_NO_GATHER = True

        def start_gather(c, b):
            if PROBE_NO_GATHER:
                return
            pltpu.async_copy(table_hbm.at[idx_all.at[c]], rows[b], gsem[b])

        def start_write(c, b):
            off = pl.multiple_of(base + c * chunk, 8)
            pltpu.async_copy(rows[b], out_hbm.at[pl.ds(off, chunk)], wsem[b])

        for c in range(lookahead):
            start_gather(c, c % nbuf)

        for c in range(lookahead):
            start_gather(c + lookahead, (c + lookahead) % nbuf)
            if not PROBE_NO_GATHER:
                pltpu.make_async_copy(table_hbm.at[idx_all.at[c]], rows[c % nbuf],
                                      gsem[c % nbuf]).wait()
            start_write(c, c % nbuf)

        steady = n - 2 * lookahead

        def body(o, carry):
            c0 = lookahead + o * nbuf
            for j in range(nbuf):
                c = c0 + j
                b = (lookahead + j) % nbuf
                bn = (b + lookahead) % nbuf
                pltpu.make_async_copy(rows[bn], out_hbm.at[pl.ds(0, chunk)],
                                      wsem[bn]).wait()
                start_gather(c + lookahead, bn)
                if not PROBE_NO_GATHER:
                    pltpu.make_async_copy(table_hbm.at[idx_all.at[c]], rows[b],
                                          gsem[b]).wait()
                start_write(c, b)
            return carry

        lax.fori_loop(0, steady // nbuf, body, 0)

        for k in range(lookahead):
            c = n - lookahead + k
            b = (n - lookahead + k) % nbuf
            if not PROBE_NO_GATHER:
                pltpu.make_async_copy(table_hbm.at[idx_all.at[0]], rows[b],
                                      gsem[b]).wait()
            start_write(c, b)

        for b in range(nbuf):
            pltpu.make_async_copy(rows[b], out_hbm.at[pl.ds(0, chunk)],
                                  wsem[b]).wait()

    return sc_gather


def kernel(inputs, embeddings):
    B, T, D = inputs.shape
    H, K, hd = embeddings.shape
    N = B * T
    flat = inputs.reshape(N, D)

    Tb = min(2048, N)
    grid = (N // Tb,)

    body = functools.partial(_vq_body, num_heads=H, head_dim=hd, num_codes=K)
    idx, fidx, loss_sum = pl.pallas_call(
        body,
        grid=grid,
        in_specs=[
            pl.BlockSpec((Tb, D), lambda i: (i, 0)),
            pl.BlockSpec((H, K, hd), lambda i: (0, 0, 0)),
        ],
        out_specs=[
            pl.BlockSpec((Tb, H), lambda i: (i, 0)),
            pl.BlockSpec((Tb, H), lambda i: (i, 0)),
            pl.BlockSpec((1, 1), lambda i: (0, 0)),
        ],
        out_shape=[
            jax.ShapeDtypeStruct((N, H), jnp.int32),
            jax.ShapeDtypeStruct((N, H), jnp.int32),
            jax.ShapeDtypeStruct((1, 1), jnp.float32),
        ],
    )(flat, embeddings)

    table = embeddings.reshape(H * K, hd)
    chunk = 32
    sc_gather = _make_sc_gather(N * H, hd, num_workers=32, chunk=chunk)
    q = sc_gather(table, fidx.reshape((N * H) // chunk, chunk))

    loss = loss_sum[0, 0] * (1.0 + _COMMITMENT_COST) / (N * D)
    return (q.reshape(B, T, D), loss, idx)

# --- scband reference (transcript-rebuilt; emitter-appended) ---
"""Pipeline reference for scband-multi-head-vector-quantizer-48713519071307 (READ-ONLY COPY).

The authoritative reference and input builder live on the scoring server;
editing this copy changes nothing except your own understanding.
"""

import jax, jax.numpy as jnp
import numpy as np

NUM_BUCKETS = 64
EMBEDDING_DIM = 1024
NUM_HEADS = 4
HEAD_DIM = EMBEDDING_DIM // NUM_HEADS
COMMITMENT_COST = 0.5


def setup_inputs(seed: int = 0) -> dict:
    key = jax.random.key(seed)
    k1, k2 = jax.random.split(key)
    inputs = jax.random.normal(k1, (4, 8192, EMBEDDING_DIM), dtype=jnp.float32)
    embeddings = jax.random.uniform(
        k2,
        (NUM_HEADS, NUM_BUCKETS, HEAD_DIM),
        minval=-1.0 / NUM_BUCKETS,
        maxval=1.0 / NUM_BUCKETS,
        dtype=jnp.float32,
    )
    return {"inputs": inputs, "embeddings": embeddings}


def reference(inputs, embeddings):
    B, T, D = inputs.shape
    H, K, hd = embeddings.shape
    flat_input = inputs.reshape(B * T, H, hd)
    input_sq = jnp.sum(flat_input ** 2, axis=2, keepdims=True)          # [N, H, 1]
    codebook_sq = jnp.sum(embeddings ** 2, axis=2)                       # [H, K]
    product = jnp.einsum('ihd,hbd->ihb', flat_input, embeddings)         # [N, H, K]
    distances = input_sq + codebook_sq[None, :, :] - 2.0 * product       # [N, H, K]
    encoding_indices = jnp.argmin(distances, axis=2)                     # [N, H]
    # per-head codebook gather: quantized[n, h, :] = embeddings[h, idx[n, h], :]
    quantized = embeddings[jnp.arange(H)[None, :], encoding_indices, :]  # [N, H, hd]
    quantized = quantized.reshape(B, T, D)
    e_latent_loss = jnp.mean((jax.lax.stop_gradient(quantized) - inputs) ** 2)
    q_latent_loss = jnp.mean((quantized - jax.lax.stop_gradient(inputs)) ** 2)
    loss = q_latent_loss + COMMITMENT_COST * e_latent_loss
    quantized_st = inputs + jax.lax.stop_gradient(quantized - inputs)
    return (quantized_st, loss, encoding_indices)

if __name__ == "__main__":
    import jax
    _d = setup_inputs()
    print(jax.jit(kernel)(*tuple(_d.values())))

</pallas_src>

<mosaic_0001>
#map = affine_map<(d0, d1) -> (0, 0)>
module attributes {stable_mosaic.version = 14 : i64} {
  func.func @sc_gather(%arg0: i32, %arg1: i32, %arg2: memref<256x256xf32, #tpu.memory_space<hbm>>, %arg3: memref<4096x32xi32, #tpu.memory_space<hbm>>, %arg4: memref<131072x256xf32, #tpu.memory_space<hbm>>, %arg5: memref<128x32xi32, #tpu.memory_space<vmem>>, %arg6: memref<32x256xf32, #tpu.memory_space<vmem>>, %arg7: memref<32x256xf32, #tpu.memory_space<vmem>>, %arg8: memref<32x256xf32, #tpu.memory_space<vmem>>, %arg9: memref<32x256xf32, #tpu.memory_space<vmem>>, %arg10: memref<!tpu.dma_semaphore, #tpu.memory_space<semaphore_mem>>, %arg11: memref<!tpu.dma_semaphore, #tpu.memory_space<semaphore_mem>>, %arg12: memref<!tpu.dma_semaphore, #tpu.memory_space<semaphore_mem>>, %arg13: memref<!tpu.dma_semaphore, #tpu.memory_space<semaphore_mem>>, %arg14: memref<!tpu.dma_semaphore, #tpu.memory_space<semaphore_mem>>, %arg15: memref<!tpu.dma_semaphore, #tpu.memory_space<semaphore_mem>>, %arg16: memref<!tpu.dma_semaphore, #tpu.memory_space<semaphore_mem>>, %arg17: memref<!tpu.dma_semaphore, #tpu.memory_space<semaphore_mem>>) attributes {dimension_semantics = [#tpu.dimension_semantics<core_parallel>, #tpu.dimension_semantics<subcore_parallel>], iteration_bounds = array<i64: 2, 16>, scalar_prefetch = 0 : i64, scratch_operands = 13 : i64, tpu.core_type = #tpu.core_type<sc_vector_subcore>, window_params = [{transform_indices = #map}, {transform_indices = #map}, {transform_indices = #map}]} {
    %mul3A = arith.constant 2 : i32
    %mul3A_0 = arith.muli %arg1, %mul3A : i32
    %add3A = arith.addi %mul3A_0, %arg0 : i32
    %mul3A_1 = arith.constant 4096 : i32
    %mul3A_2 = arith.muli %add3A, %mul3A_1 : i32
    %mul3A_3 = arith.constant 128 : i32
    %mul3A_4 = arith.muli %add3A, %mul3A_3 : i32
    "tpu.region"() ({
      %run_scoped3A = tpu.sem_alloc : memref<!tpu.dma_semaphore, #tpu.memory_space<semaphore_mem>>
      %dma_start3A_59 = arith.constant 0 : i32
      %dma_start3A_60 = tpu.memref_slice %arg3[%mul3A_4, %dma_start3A_59] : memref<4096x32xi32, #tpu.memory_space<hbm>> -> memref<128x32xi32, #tpu.memory_space<hbm>>
      %dma_start3A_61 = arith.constant 0 : i32
      %dma_start3A_62 = tpu.memref_slice %arg3[%mul3A_4, %dma_start3A_61] : memref<4096x32xi32, #tpu.memory_space<hbm>> -> memref<128x32xi32, #tpu.memory_space<hbm>>
      tpu.enqueue_dma source(%dma_start3A_62 : memref<128x32xi32, #tpu.memory_space<hbm>>) target(%arg5 : memref<128x32xi32, #tpu.memory_space<vmem>>) target_semaphore(%run_scoped3A : memref<!tpu.dma_semaphore, #tpu.memory_space<semaphore_mem>>)
      %dma_wait3A_63 = arith.constant 0 : i32
      %dma_wait3A_64 = tpu.memref_slice %arg3[%mul3A_4, %dma_wait3A_63] : memref<4096x32xi32, #tpu.memory_space<hbm>> -> memref<128x32xi32, #tpu.memory_space<hbm>>
      %dma_wait3A_65 = arith.constant 0 : i32
      %dma_wait3A_66 = tpu.memref_slice %arg3[%mul3A_4, %dma_wait3A_65] : memref<4096x32xi32, #tpu.memory_space<hbm>> -> memref<128x32xi32, #tpu.memory_space<hbm>>
      tpu.wait_dma2 semaphore(%run_scoped3A : memref<!tpu.dma_semaphore, #tpu.memory_space<semaphore_mem>>) src(%dma_wait3A_66 : memref<128x32xi32, #tpu.memory_space<hbm>>) dst(%arg5 : memref<128x32xi32, #tpu.memory_space<vmem>>)
      tpu.yield
    }) : () -> ()
    %add3A_5 = arith.constant 0 : i32
    %add3A_6 = arith.addi %mul3A_2, %add3A_5 : i32
    %multiple_of3A = tpu.assume_multiple %add3A_6, 8 : i32
    %dma_start3A = arith.constant 0 : i32
    %dma_start3A_7 = tpu.memref_slice %arg4[%multiple_of3A, %dma_start3A] : memref<131072x256xf32, #tpu.memory_space<hbm>> -> memref<32x256xf32, #tpu.memory_space<hbm>>
    %dma_start3A_8 = arith.constant 0 : i32
    %dma_start3A_9 = tpu.memref_slice %arg4[%multiple_of3A, %dma_start3A_8] : memref<131072x256xf32, #tpu.memory_space<hbm>> -> memref<32x256xf32, #tpu.memory_space<hbm>>
    tpu.enqueue_dma source(%arg6 : memref<32x256xf32, #tpu.memory_space<vmem>>) target(%dma_start3A_9 : memref<32x256xf32, #tpu.memory_space<hbm>>) target_semaphore(%arg14 : memref<!tpu.dma_semaphore, #tpu.memory_space<semaphore_mem>>)
    %add3A_10 = arith.constant 32 : i32
    %add3A_11 = arith.addi %mul3A_2, %add3A_10 : i32
    %multiple_of3A_12 = tpu.assume_multiple %add3A_11, 8 : i32
    %dma_start3A_13 = arith.constant 0 : i32
    %dma_start3A_14 = tpu.memref_slice %arg4[%multiple_of3A_12, %dma_start3A_13] : memref<131072x256xf32, #tpu.memory_space<hbm>> -> memref<32x256xf32, #tpu.memory_space<hbm>>
    %dma_start3A_15 = arith.constant 0 : i32
    %dma_start3A_16 = tpu.memref_slice %arg4[%multiple_of3A_12, %dma_start3A_15] : memref<131072x256xf32, #tpu.memory_space<hbm>> -> memref<32x256xf32, #tpu.memory_space<hbm>>
    tpu.enqueue_dma source(%arg7 : memref<32x256xf32, #tpu.memory_space<vmem>>) target(%dma_start3A_16 : memref<32x256xf32, #tpu.memory_space<hbm>>) target_semaphore(%arg15 : memref<!tpu.dma_semaphore, #tpu.memory_space<semaphore_mem>>)
    %scan3A = arith.constant 0 : i32
    %scan3A_17 = arith.constant 0 : i32
    %scan3A_18 = arith.constant 31 : i32
    %scan3A_19 = arith.addi %scan3A_17, %scan3A_18 : i32
    %scan3A_20 = arith.constant 1 : i32
    scf.for %scan3A_59 = %scan3A_17 to %scan3A_19 step %scan3A_20  : i32 {
      %mul3A_60 = arith.constant 4 : i32
      %mul3A_61 = arith.muli %scan3A_59, %mul3A_60 : i32
      %add3A_62 = arith.constant 2 : i32
      %add3A_63 = arith.addi %add3A_62, %mul3A_61 : i32
      %add3A_64 = arith.constant 0 : i32
      %add3A_65 = arith.addi %add3A_63, %add3A_64 : i32
      %dma_wait3A_66 = arith.constant 0 : i32
      %dma_wait3A_67 = arith.constant 0 : i32
      %dma_wait3A_68 = tpu.memref_slice %arg4[%dma_wait3A_66, %dma_wait3A_67] : memref<131072x256xf32, #tpu.memory_space<hbm>> -> memref<32x256xf32, #tpu.memory_space<hbm>>
      %dma_wait3A_69 = arith.constant 0 : i32
      %dma_wait3A_70 = arith.constant 0 : i32
      %dma_wait3A_71 = tpu.memref_slice %arg4[%dma_wait3A_69, %dma_wait3A_70] : memref<131072x256xf32, #tpu.memory_space<hbm>> -> memref<32x256xf32, #tpu.memory_space<hbm>>
      tpu.wait_dma2 semaphore(%arg14 : memref<!tpu.dma_semaphore, #tpu.memory_space<semaphore_mem>>) src(%arg6 : memref<32x256xf32, #tpu.memory_space<vmem>>) dst(%dma_wait3A_71 : memref<32x256xf32, #tpu.memory_space<hbm>>)
      %add3A_72 = arith.constant 2 : i32
      %add3A_73 = arith.addi %add3A_65, %add3A_72 : i32
      %mul3A_74 = arith.constant 32 : i32
      %mul3A_75 = arith.muli %add3A_65, %mul3A_74 : i32
      %add3A_76 = arith.addi %mul3A_2, %mul3A_75 : i32
      %multiple_of3A_77 = tpu.assume_multiple %add3A_76, 8 : i32
      %dma_start3A_78 = arith.constant 0 : i32
      %dma_start3A_79 = tpu.memref_slice %arg4[%multiple_of3A_77, %dma_start3A_78] : memref<131072x256xf32, #tpu.memory_space<hbm>> -> memref<32x256xf32, #tpu.memory_space<hbm>>
      %dma_start3A_80 = arith.constant 0 : i32
      %dma_start3A_81 = tpu.memref_slice %arg4[%multiple_of3A_77, %dma_start3A_80] : memref<131072x256xf32, #tpu.memory_space<hbm>> -> memref<32x256xf32, #tpu.memory_space<hbm>>
      tpu.enqueue_dma source(%arg8 : memref<32x256xf32, #tpu.memory_space<vmem>>) target(%dma_start3A_81 : memref<32x256xf32, #tpu.memory_space<hbm>>) target_semaphore(%arg16 : memref<!tpu.dma_semaphore, #tpu.memory_space<semaphore_mem>>)
      %add3A_82 = arith.constant 1 : i32
      %add3A_83 = arith.addi %add3A_63, %add3A_82 : i32
      %dma_wait3A_84 = arith.constant 0 : i32
      %dma_wait3A_85 = arith.constant 0 : i32
      %dma_wait3A_86 = tpu.memref_slice %arg4[%dma_wait3A_84, %dma_wait3A_85] : memref<131072x256xf32, #tpu.memory_space<hbm>> -> memref<32x256xf32, #tpu.memory_space<hbm>>
      %dma_wait3A_87 = arith.constant 0 : i32
      %dma_wait3A_88 = arith.constant 0 : i32
      %dma_wait3A_89 = tpu.memref_slice %arg4[%dma_wait3A_87, %dma_wait3A_88] : memref<131072x256xf32, #tpu.memory_space<hbm>> -> memref<32x256xf32, #tpu.memory_space<hbm>>
      tpu.wait_dma2 semaphore(%arg15 : memref<!tpu.dma_semaphore, #tpu.memory_space<semaphore_mem>>) src(%arg7 : memref<32x256xf32, #tpu.memory_space<vmem>>) dst(%dma_wait3A_89 : memref<32x256xf32, #tpu.memory_space<hbm>>)
      %add3A_90 = arith.constant 2 : i32
      %add3A_91 = arith.addi %add3A_83, %add3A_90 : i32
      %mul3A_92 = arith.constant 32 : i32
      %mul3A_93 = arith.muli %add3A_83, %mul3A_92 : i32
      %add3A_94 = arith.addi %mul3A_2, %mul3A_93 : i32
      %multiple_of3A_95 = tpu.assume_multiple %add3A_94, 8 : i32
      %dma_start3A_96 = arith.constant 0 : i32
      %dma_start3A_97 = tpu.memref_slice %arg4[%multiple_of3A_95, %dma_start3A_96] : memref<131072x256xf32, #tpu.memory_space<hbm>> -> memref<32x256xf32, #tpu.memory_space<hbm>>
      %dma_start3A_98 = arith.constant 0 : i32
      %dma_start3A_99 = tpu.memref_slice %arg4[%multiple_of3A_95, %dma_start3A_98] : memref<131072x256xf32, #tpu.memory_space<hbm>> -> memref<32x256xf32, #tpu.memory_space<hbm>>
      tpu.enqueue_dma source(%arg9 : memref<32x256xf32, #tpu.memory_space<vmem>>) target(%dma_start3A_99 : memref<32x256xf32, #tpu.memory_space<hbm>>) target_semaphore(%arg17 : memref<!tpu.dma_semaphore, #tpu.memory_space<semaphore_mem>>)
      %add3A_100 = arith.constant 2 : i32
      %add3A_101 = arith.addi %add3A_63, %add3A_100 : i32
      %dma_wait3A_102 = arith.constant 0 : i32
      %dma_wait3A_103 = arith.constant 0 : i32
      %dma_wait3A_104 = tpu.memref_slice %arg4[%dma_wait3A_102, %dma_wait3A_103] : memref<131072x256xf32, #tpu.memory_space<hbm>> -> memref<32x256xf32, #tpu.memory_space<hbm>>
      %dma_wait3A_105 = arith.constant 0 : i32
      %dma_wait3A_106 = arith.constant 0 : i32
      %dma_wait3A_107 = tpu.memref_slice %arg4[%dma_wait3A_105, %dma_wait3A_106] : memref<131072x256xf32, #tpu.memory_space<hbm>> -> memref<32x256xf32, #tpu.memory_space<hbm>>
      tpu.wait_dma2 semaphore(%arg16 : memref<!tpu.dma_semaphore, #tpu.memory_space<semaphore_mem>>) src(%arg8 : memref<32x256xf32, #tpu.memory_space<vmem>>) dst(%dma_wait3A_107 : memref<32x256xf32, #tpu.memory_space<hbm>>)
      %add3A_108 = arith.constant 2 : i32
      %add3A_109 = arith.addi %add3A_101, %add3A_108 : i32
      %mul3A_110 = arith.constant 32 : i32
      %mul3A_111 = arith.muli %add3A_101, %mul3A_110 : i32
      %add3A_112 = arith.addi %mul3A_2, %mul3A_111 : i32
      %multiple_of3A_113 = tpu.assume_multiple %add3A_112, 8 : i32
      %dma_start3A_114 = arith.constant 0 : i32
      %dma_start3A_115 = tpu.memref_slice %arg4[%multiple_of3A_113, %dma_start3A_114] : memref<131072x256xf32, #tpu.memory_space<hbm>> -> memref<32x256xf32, #tpu.memory_space<hbm>>
      %dma_start3A_116 = arith.constant 0 : i32
      %dma_start3A_117 = tpu.memref_slice %arg4[%multiple_of3A_113, %dma_start3A_116] : memref<131072x256xf32, #tpu.memory_space<hbm>> -> memref<32x256xf32, #tpu.memory_space<hbm>>
      tpu.enqueue_dma source(%arg6 : memref<32x256xf32, #tpu.memory_space<vmem>>) target(%dma_start3A_117 : memref<32x256xf32, #tpu.memory_space<hbm>>) target_semaphore(%arg14 : memref<!tpu.dma_semaphore, #tpu.memory_space<semaphore_mem>>)
      %add3A_118 = arith.constant 3 : i32
      %add3A_119 = arith.addi %add3A_63, %add3A_118 : i32
      %dma_wait3A_120 = arith.constant 0 : i32
      %dma_wait3A_121 = arith.constant 0 : i32
      %dma_wait3A_122 = tpu.memref_slice %arg4[%dma_wait3A_120, %dma_wait3A_121] : memref<131072x256xf32, #tpu.memory_space<hbm>> -> memref<32x256xf32, #tpu.memory_space<hbm>>
      %dma_wait3A_123 = arith.constant 0 : i32
      %dma_wait3A_124 = arith.constant 0 : i32
      %dma_wait3A_125 = tpu.memref_slice %arg4[%dma_wait3A_123, %dma_wait3A_124] : memref<131072x256xf32, #tpu.memory_space<hbm>> -> memref<32x256xf32, #tpu.memory_space<hbm>>
      tpu.wait_dma2 semaphore(%arg17 : memref<!tpu.dma_semaphore, #tpu.memory_space<semaphore_mem>>) src(%arg9 : memref<32x256xf32, #tpu.memory_space<vmem>>) dst(%dma_wait3A_125 : memref<32x256xf32, #tpu.memory_space<hbm>>)
      %add3A_126 = arith.constant 2 : i32
      %add3A_127 = arith.addi %add3A_119, %add3A_126 : i32
      %mul3A_128 = arith.constant 32 : i32
      %mul3A_129 = arith.muli %add3A_119, %mul3A_128 : i32
      %add3A_130 = arith.addi %mul3A_2, %mul3A_129 : i32
      %multiple_of3A_131 = tpu.assume_multiple %add3A_130, 8 : i32
      %dma_start3A_132 = arith.constant 0 : i32
      %dma_start3A_133 = tpu.memref_slice %arg4[%multiple_of3A_131, %dma_start3A_132] : memref<131072x256xf32, #tpu.memory_space<hbm>> -> memref<32x256xf32, #tpu.memory_space<hbm>>
      %dma_start3A_134 = arith.constant 0 : i32
      %dma_start3A_135 = tpu.memref_slice %arg4[%multiple_of3A_131, %dma_start3A_134] : memref<131072x256xf32, #tpu.memory_space<hbm>> -> memref<32x256xf32, #tpu.memory_space<hbm>>
      tpu.enqueue_dma source(%arg7 : memref<32x256xf32, #tpu.memory_space<vmem>>) target(%dma_start3A_135 : memref<32x256xf32, #tpu.memory_space<hbm>>) target_semaphore(%arg15 : memref<!tpu.dma_semaphore, #tpu.memory_space<semaphore_mem>>)
    }
    %scan3A_21 = arith.constant 31 : i32
    %add3A_22 = arith.constant 4032 : i32
    %add3A_23 = arith.addi %mul3A_2, %add3A_22 : i32
    %multiple_of3A_24 = tpu.assume_multiple %add3A_23, 8 : i32
    %dma_start3A_25 = arith.constant 0 : i32
    %dma_start3A_26 = tpu.memref_slice %arg4[%multiple_of3A_24, %dma_start3A_25] : memref<131072x256xf32, #tpu.memory_space<hbm>> -> memref<32x256xf32, #tpu.memory_space<hbm>>
    %dma_start3A_27 = arith.constant 0 : i32
    %dma_start3A_28 = tpu.memref_slice %arg4[%multiple_of3A_24, %dma_start3A_27] : memref<131072x256xf32, #tpu.memory_space<hbm>> -> memref<32x256xf32, #tpu.memory_space<hbm>>
    tpu.enqueue_dma source(%arg8 : memref<32x256xf32, #tpu.memory_space<vmem>>) target(%dma_start3A_28 : memref<32x256xf32, #tpu.memory_space<hbm>>) target_semaphore(%arg16 : memref<!tpu.dma_semaphore, #tpu.memory_space<semaphore_mem>>)
    %add3A_29 = arith.constant 4064 : i32
    %add3A_30 = arith.addi %mul3A_2, %add3A_29 : i32
    %multiple_of3A_31 = tpu.assume_multiple %add3A_30, 8 : i32
    %dma_start3A_32 = arith.constant 0 : i32
    %dma_start3A_33 = tpu.memref_slice %arg4[%multiple_of3A_31, %dma_start3A_32] : memref<131072x256xf32, #tpu.memory_space<hbm>> -> memref<32x256xf32, #tpu.memory_space<hbm>>
    %dma_start3A_34 = arith.constant 0 : i32
    %dma_start3A_35 = tpu.memref_slice %arg4[%multiple_of3A_31, %dma_start3A_34] : memref<131072x256xf32, #tpu.memory_space<hbm>> -> memref<32x256xf32, #tpu.memory_space<hbm>>
    tpu.enqueue_dma source(%arg9 : memref<32x256xf32, #tpu.memory_space<vmem>>) target(%dma_start3A_35 : memref<32x256xf32, #tpu.memory_space<hbm>>) target_semaphore(%arg17 : memref<!tpu.dma_semaphore, #tpu.memory_space<semaphore_mem>>)
    %dma_wait3A = arith.constant 0 : i32
    %dma_wait3A_36 = arith.constant 0 : i32
    %dma_wait3A_37 = tpu.memref_slice %arg4[%dma_wait3A, %dma_wait3A_36] : memref<131072x256xf32, #tpu.memory_space<hbm>> -> memref<32x256xf32, #tpu.memory_space<hbm>>
    %dma_wait3A_38 = arith.constant 0 : i32
    %dma_wait3A_39 = arith.constant 0 : i32
    %dma_wait3A_40 = tpu.memref_slice %arg4[%dma_wait3A_38, %dma_wait3A_39] : memref<131072x256xf32, #tpu.memory_space<hbm>> -> memref<32x256xf32, #tpu.memory_space<hbm>>
    tpu.wait_dma2 semaphore(%arg14 : memref<!tpu.dma_semaphore, #tpu.memory_space<semaphore_mem>>) src(%arg6 : memref<32x256xf32, #tpu.memory_space<vmem>>) dst(%dma_wait3A_40 : memref<32x256xf32, #tpu.memory_space<hbm>>)
    %dma_wait3A_41 = arith.constant 0 : i32
    %dma_wait3A_42 = arith.constant 0 : i32
    %dma_wait3A_43 = tpu.memref_slice %arg4[%dma_wait3A_41, %dma_wait3A_42] : memref<131072x256xf32, #tpu.memory_space<hbm>> -> memref<32x256xf32, #tpu.memory_space<hbm>>
    %dma_wait3A_44 = arith.constant 0 : i32
    %dma_wait3A_45 = arith.constant 0 : i32
    %dma_wait3A_46 = tpu.memref_slice %arg4[%dma_wait3A_44, %dma_wait3A_45] : memref<131072x256xf32, #tpu.memory_space<hbm>> -> memref<32x256xf32, #tpu.memory_space<hbm>>
    tpu.wait_dma2 semaphore(%arg15 : memref<!tpu.dma_semaphore, #tpu.memory_space<semaphore_mem>>) src(%arg7 : memref<32x256xf32, #tpu.memory_space<vmem>>) dst(%dma_wait3A_46 : memref<32x256xf32, #tpu.memory_space<hbm>>)
    %dma_wait3A_47 = arith.constant 0 : i32
    %dma_wait3A_48 = arith.constant 0 : i32
    %dma_wait3A_49 = tpu.memref_slice %arg4[%dma_wait3A_47, %dma_wait3A_48] : memref<131072x256xf32, #tpu.memory_space<hbm>> -> memref<32x256xf32, #tpu.memory_space<hbm>>
    %dma_wait3A_50 = arith.constant 0 : i32
    %dma_wait3A_51 = arith.constant 0 : i32
    %dma_wait3A_52 = tpu.memref_slice %arg4[%dma_wait3A_50, %dma_wait3A_51] : memref<131072x256xf32, #tpu.memory_space<hbm>> -> memref<32x256xf32, #tpu.memory_space<hbm>>
    tpu.wait_dma2 semaphore(%arg16 : memref<!tpu.dma_semaphore, #tpu.memory_space<semaphore_mem>>) src(%arg8 : memref<32x256xf32, #tpu.memory_space<vmem>>) dst(%dma_wait3A_52 : memref<32x256xf32, #tpu.memory_space<hbm>>)
    %dma_wait3A_53 = arith.constant 0 : i32
    %dma_wait3A_54 = arith.constant 0 : i32
    %dma_wait3A_55 = tpu.memref_slice %arg4[%dma_wait3A_53, %dma_wait3A_54] : memref<131072x256xf32, #tpu.memory_space<hbm>> -> memref<32x256xf32, #tpu.memory_space<hbm>>
    %dma_wait3A_56 = arith.constant 0 : i32
    %dma_wait3A_57 = arith.constant 0 : i32
    %dma_wait3A_58 = tpu.memref_slice %arg4[%dma_wait3A_56, %dma_wait3A_57] : memref<131072x256xf32, #tpu.memory_space<hbm>> -> memref<32x256xf32, #tpu.memory_space<hbm>>
    tpu.wait_dma2 semaphore(%arg17 : memref<!tpu.dma_semaphore, #tpu.memory_space<semaphore_mem>>) src(%arg9 : memref<32x256xf32, #tpu.memory_space<vmem>>) dst(%dma_wait3A_58 : memref<32x256xf32, #tpu.memory_space<hbm>>)
    return
  }
}

module attributes {stable_mosaic.version = 14 : i64} {
  func.func @_vq_body(%arg0: i32, %arg1: memref<2048x1024xf32, #tpu.memory_space<vmem>>, %arg2: memref<4x64x256xf32, #tpu.memory_space<vmem>>, %arg3: memref<2048x4xi32, #tpu.memory_space<vmem>>, %arg4: memref<2048x4xi32, #tpu.memory_space<vmem>>, %arg5: memref<1x1xf32, #tpu.memory_space<vmem>>) attributes {dimension_semantics = [#tpu.dimension_semantics<arbitrary>], iteration_bounds = array<i64: 16>, scalar_prefetch = 0 : i64, scratch_operands = 0 : i64, tpu.core_type = #tpu.core_type<tc>, window_params = [{transform_indices = @transform_0, window_bounds = array<i64: 2048, 1024>}, {pipeline_mode = #tpu.pipeline_mode<synchronous>, transform_indices = @transform_1, window_bounds = array<i64: 4, 64, 256>}, {transform_indices = @transform_2, window_bounds = array<i64: 2048, 4>}, {transform_indices = @transform_3, window_bounds = array<i64: 2048, 4>}, {pipeline_mode = #tpu.pipeline_mode<synchronous>, transform_indices = @transform_4, window_bounds = array<i64: 1, 1>}]} {
    %get3A = arith.constant 0 : index
    %get3A_0 = arith.constant 0 : index
    %get3A_1 = vector.load %arg1[%get3A, %get3A_0] : memref<2048x1024xf32, #tpu.memory_space<vmem>>, vector<2048x1024xf32>
    %slice3A = vector.extract_strided_slice %get3A_1 {offsets = [0, 0], sizes = [2048, 256], strides = [1, 1]} : vector<2048x1024xf32> to vector<2048x256xf32>
    %get3A_2 = arith.constant 0 : index
    %get3A_3 = arith.constant 0 : index
    %get3A_4 = arith.constant 0 : index
    %get3A_5 = vector.load %arg2[%get3A_2, %get3A_3, %get3A_4] : memref<4x64x256xf32, #tpu.memory_space<vmem>>, vector<1x64x256xf32>
    %get3A_6 = vector.shape_cast %get3A_5 : vector<1x64x256xf32> to vector<64x256xf32>
    %transpose3A = tpu.transpose %get3A_6, [1, 0] : vector<64x256xf32> -> vector<256x64xf32>
    %dot_general3A = arith.constant dense<0.000000e+00> : vector<2048x64xf32>
    %dot_general3A_7 = tpu.matmul %slice3A, %transpose3A, %dot_general3A {dimension_numbers = #tpu.dot_dimension_numbers<[1], [0], [0], [1], [0, 0, 1, 1], [], []>, transpose_lhs_hint = false} : vector<2048x256xf32>, vector<256x64xf32>, vector<2048x64xf32> -> vector<2048x64xf32>
    %mul3A = arith.mulf %slice3A, %slice3A : vector<2048x256xf32>
    %reduce_sum3A = arith.constant dense<0.000000e+00> : vector<2048xf32>
    %reduce_sum3A_8 = vector.multi_reduction <add>, %mul3A, %reduce_sum3A [1] : vector<2048x256xf32> to vector<2048xf32>
    %broadcast_in_dim3A = vector.shape_cast %reduce_sum3A_8 : vector<2048xf32> to vector<2048x1xf32>
    %mul3A_9 = arith.mulf %get3A_6, %get3A_6 : vector<64x256xf32>
    %reduce_sum3A_10 = arith.constant dense<0.000000e+00> : vector<64xf32>
    %reduce_sum3A_11 = vector.multi_reduction <add>, %mul3A_9, %reduce_sum3A_10 [1] : vector<64x256xf32> to vector<64xf32>
    %broadcast_in_dim3A_12 = vector.shape_cast %reduce_sum3A_11 : vector<64xf32> to vector<1x64xf32>
    %add3A = vector.broadcast %broadcast_in_dim3A : vector<2048x1xf32> to vector<2048x64xf32>
    %add3A_13 = vector.broadcast %broadcast_in_dim3A_12 : vector<1x64xf32> to vector<2048x64xf32>
    %add3A_14 = arith.addf %add3A, %add3A_13 : vector<2048x64xf32>
    %mul3A_15 = arith.constant 2.000000e+00 : f32
    %mul3A_16 = vector.broadcast %mul3A_15 : f32 to vector<2048x64xf32>
    %mul3A_17 = arith.mulf %mul3A_16, %dot_general3A_7 : vector<2048x64xf32>
    %sub3A = arith.subf %add3A_14, %mul3A_17 : vector<2048x64xf32>
    %reduce_min3A = arith.constant dense<0x7F800000> : vector<2048xf32>
    %reduce_min3A_18 = vector.multi_reduction <minimumf>, %sub3A, %reduce_min3A [1] : vector<2048x64xf32> to vector<2048xf32>
    %broadcast_in_dim3A_19 = vector.shape_cast %reduce_min3A_18 : vector<2048xf32> to vector<2048x1xf32>
    %iota3A = tpu.iota {dimensions = array<i32: 1>} : vector<2048x64xi32>
    %convert_element_type3A = arith.sitofp %iota3A : vector<2048x64xi32> to vector<2048x64xf32>
    %eq3A = vector.broadcast %broadcast_in_dim3A_19 : vector<2048x1xf32> to vector<2048x64xf32>
    %eq3A_20 = arith.cmpf oeq, %sub3A, %eq3A : vector<2048x64xf32>
    %jit3A = arith.constant 6.400000e+01 : f32
    %broadcast_in_dim3A_21 = vector.broadcast %jit3A : f32 to vector<2048x64xf32>
    %select_n3A = arith.select %eq3A_20, %convert_element_type3A, %broadcast_in_dim3A_21 : vector<2048x64xi1>, vector<2048x64xf32>
    %reduce_min3A_22 = arith.constant dense<0x7F800000> : vector<2048xf32>
    %reduce_min3A_23 = vector.multi_reduction <minimumf>, %select_n3A, %reduce_min3A_22 [1] : vector<2048x64xf32> to vector<2048xf32>
    %broadcast_in_dim3A_24 = vector.shape_cast %reduce_min3A_23 : vector<2048xf32> to vector<2048x1xf32>
    %add3A_25 = arith.constant 0.000000e+00 : f32
    %add3A_26 = vector.broadcast %add3A_25 : f32 to vector<2048x1xf32>
    %add3A_27 = arith.addf %broadcast_in_dim3A_24, %add3A_26 : vector<2048x1xf32>
    %reduce_sum3A_28 = vector.shape_cast %broadcast_in_dim3A_19 : vector<2048x1xf32> to vector<1x2048x1xf32>
    %reduce_sum3A_29 = arith.constant dense<0.000000e+00> : vector<1xf32>
    %reduce_sum3A_30 = vector.multi_reduction <add>, %reduce_sum3A_28, %reduce_sum3A_29 [1, 2] : vector<1x2048x1xf32> to vector<1xf32>
    %reduce_sum3A_31 = vector.shape_cast %reduce_sum3A_30 : vector<1xf32> to vector<1x1x1xf32>
    %reduce_sum3A_32 = vector.extract %reduce_sum3A_31[0, 0, 0] : f32 from vector<1x1x1xf32>
    %add3A_33 = arith.constant 0.000000e+00 : f32
    %add3A_34 = arith.addf %add3A_33, %reduce_sum3A_32 : f32
    %slice3A_35 = vector.extract_strided_slice %get3A_1 {offsets = [0, 256], sizes = [2048, 256], strides = [1, 1]} : vector<2048x1024xf32> to vector<2048x256xf32>
    %get3A_36 = arith.constant 1 : index
    %get3A_37 = arith.constant 0 : index
    %get3A_38 = arith.constant 0 : index
    %get3A_39 = vector.load %arg2[%get3A_36, %get3A_37, %get3A_38] : memref<4x64x256xf32, #tpu.memory_space<vmem>>, vector<1x64x256xf32>
    %get3A_40 = vector.shape_cast %get3A_39 : vector<1x64x256xf32> to vector<64x256xf32>
    %transpose3A_41 = tpu.transpose %get3A_40, [1, 0] : vector<64x256xf32> -> vector<256x64xf32>
    %dot_general3A_42 = arith.constant dense<0.000000e+00> : vector<2048x64xf32>
    %dot_general3A_43 = tpu.matmul %slice3A_35, %transpose3A_41, %dot_general3A_42 {dimension_numbers = #tpu.dot_dimension_numbers<[1], [0], [0], [1], [0, 0, 1, 1], [], []>, transpose_lhs_hint = false} : vector<2048x256xf32>, vector<256x64xf32>, vector<2048x64xf32> -> vector<2048x64xf32>
    %mul3A_44 = arith.mulf %slice3A_35, %slice3A_35 : vector<2048x256xf32>
    %reduce_sum3A_45 = arith.constant dense<0.000000e+00> : vector<2048xf32>
    %reduce_sum3A_46 = vector.multi_reduction <add>, %mul3A_44, %reduce_sum3A_45 [1] : vector<2048x256xf32> to vector<2048xf32>
    %broadcast_in_dim3A_47 = vector.shape_cast %reduce_sum3A_46 : vector<2048xf32> to vector<2048x1xf32>
    %mul3A_48 = arith.mulf %get3A_40, %get3A_40 : vector<64x256xf32>
    %reduce_sum3A_49 = arith.constant dense<0.000000e+00> : vector<64xf32>
    %reduce_sum3A_50 = vector.multi_reduction <add>, %mul3A_48, %reduce_sum3A_49 [1] : vector<64x256xf32> to vector<64xf32>
    %broadcast_in_dim3A_51 = vector.shape_cast %reduce_sum3A_50 : vector<64xf32> to vector<1x64xf32>
    %add3A_52 = vector.broadcast %broadcast_in_dim3A_47 : vector<2048x1xf32> to vector<2048x64xf32>
    %add3A_53 = vector.broadcast %broadcast_in_dim3A_51 : vector<1x64xf32> to vector<2048x64xf32>
    %add3A_54 = arith.addf %add3A_52, %add3A_53 : vector<2048x64xf32>
    %mul3A_55 = arith.constant 2.000000e+00 : f32
    %mul3A_56 = vector.broadcast %mul3A_55 : f32 to vector<2048x64xf32>
    %mul3A_57 = arith.mulf %mul3A_56, %dot_general3A_43 : vector<2048x64xf32>
    %sub3A_58 = arith.subf %add3A_54, %mul3A_57 : vector<2048x64xf32>
    %reduce_min3A_59 = arith.constant dense<0x7F800000> : vector<2048xf32>
    %reduce_min3A_60 = vector.multi_reduction <minimumf>, %sub3A_58, %reduce_min3A_59 [1] : vector<2048x64xf32> to vector<2048xf32>
    %broadcast_in_dim3A_61 = vector.shape_cast %reduce_min3A_60 : vector<2048xf32> to vector<2048x1xf32>
    %iota3A_62 = tpu.iota {dimensions = array<i32: 1>} : vector<2048x64xi32>
    %convert_element_type3A_63 = arith.sitofp %iota3A_62 : vector<2048x64xi32> to vector<2048x64xf32>
    %eq3A_64 = vector.broadcast %broadcast_in_dim3A_61 : vector<2048x1xf32> to vector<2048x64xf32>
    %eq3A_65 = arith.cmpf oeq, %sub3A_58, %eq3A_64 : vector<2048x64xf32>
    %jit3A_66 = arith.constant 6.400000e+01 : f32
    %broadcast_in_dim3A_67 = vector.broadcast %jit3A_66 : f32 to vector<2048x64xf32>
    %select_n3A_68 = arith.select %eq3A_65, %convert_element_type3A_63, %broadcast_in_dim3A_67 : vector<2048x64xi1>, vector<2048x64xf32>
    %reduce_min3A_69 = arith.constant dense<0x7F800000> : vector<2048xf32>
    %reduce_min3A_70 = vector.multi_reduction <minimumf>, %select_n3A_68, %reduce_min3A_69 [1] : vector<2048x64xf32> to vector<2048xf32>
    %broadcast_in_dim3A_71 = vector.shape_cast %reduce_min3A_70 : vector<2048xf32> to vector<2048x1xf32>
    %add3A_72 = arith.constant 6.400000e+01 : f32
    %add3A_73 = vector.broadcast %add3A_72 : f32 to vector<2048x1xf32>
    %add3A_74 = arith.addf %broadcast_in_dim3A_71, %add3A_73 : vector<2048x1xf32>
    %reduce_sum3A_75 = vector.shape_cast %broadcast_in_dim3A_61 : vector<2048x1xf32> to vector<1x2048x1xf32>
    %reduce_sum3A_76 = arith.constant dense<0.000000e+00> : vector<1xf32>
    %reduce_sum3A_77 = vector.multi_reduction <add>, %reduce_sum3A_75, %reduce_sum3A_76 [1, 2] : vector<1x2048x1xf32> to vector<1xf32>
    %reduce_sum3A_78 = vector.shape_cast %reduce_sum3A_77 : vector<1xf32> to vector<1x1x1xf32>
    %reduce_sum3A_79 = vector.extract %reduce_sum3A_78[0, 0, 0] : f32 from vector<1x1x1xf32>
    %add3A_80 = arith.addf %add3A_34, %reduce_sum3A_79 : f32
    %slice3A_81 = vector.extract_strided_slice %get3A_1 {offsets = [0, 512], sizes = [2048, 256], strides = [1, 1]} : vector<2048x1024xf32> to vector<2048x256xf32>
    %get3A_82 = arith.constant 2 : index
    %get3A_83 = arith.constant 0 : index
    %get3A_84 = arith.constant 0 : index
    %get3A_85 = vector.load %arg2[%get3A_82, %get3A_83, %get3A_84] : memref<4x64x256xf32, #tpu.memory_space<vmem>>, vector<1x64x256xf32>
    %get3A_86 = vector.shape_cast %get3A_85 : vector<1x64x256xf32> to vector<64x256xf32>
    %transpose3A_87 = tpu.transpose %get3A_86, [1, 0] : vector<64x256xf32> -> vector<256x64xf32>
    %dot_general3A_88 = arith.constant dense<0.000000e+00> : vector<2048x64xf32>
    %dot_general3A_89 = tpu.matmul %slice3A_81, %transpose3A_87, %dot_general3A_88 {dimension_numbers = #tpu.dot_dimension_numbers<[1], [0], [0], [1], [0, 0, 1, 1], [], []>, transpose_lhs_hint = false} : vector<2048x256xf32>, vector<256x64xf32>, vector<2048x64xf32> -> vector<2048x64xf32>
    %mul3A_90 = arith.mulf %slice3A_81, %slice3A_81 : vector<2048x256xf32>
    %reduce_sum3A_91 = arith.constant dense<0.000000e+00> : vector<2048xf32>
    %reduce_sum3A_92 = vector.multi_reduction <add>, %mul3A_90, %reduce_sum3A_91 [1] : vector<2048x256xf32> to vector<2048xf32>
    %broadcast_in_dim3A_93 = vector.shape_cast %reduce_sum3A_92 : vector<2048xf32> to vector<2048x1xf32>
    %mul3A_94 = arith.mulf %get3A_86, %get3A_86 : vector<64x256xf32>
    %reduce_sum3A_95 = arith.constant dense<0.000000e+00> : vector<64xf32>
    %reduce_sum3A_96 = vector.multi_reduction <add>, %mul3A_94, %reduce_sum3A_95 [1] : vector<64x256xf32> to vector<64xf32>
    %broadcast_in_dim3A_97 = vector.shape_cast %reduce_sum3A_96 : vector<64xf32> to vector<1x64xf32>
    %add3A_98 = vector.broadcast %broadcast_in_dim3A_93 : vector<2048x1xf32> to vector<2048x64xf32>
    %add3A_99 = vector.broadcast %broadcast_in_dim3A_97 : vector<1x64xf32> to vector<2048x64xf32>
    %add3A_100 = arith.addf %add3A_98, %add3A_99 : vector<2048x64xf32>
    %mul3A_101 = arith.constant 2.000000e+00 : f32
    %mul3A_102 = vector.broadcast %mul3A_101 : f32 to vector<2048x64xf32>
    %mul3A_103 = arith.mulf %mul3A_102, %dot_general3A_89 : vector<2048x64xf32>
    %sub3A_104 = arith.subf %add3A_100, %mul3A_103 : vector<2048x64xf32>
    %reduce_min3A_105 = arith.constant dense<0x7F800000> : vector<2048xf32>
    %reduce_min3A_106 = vector.multi_reduction <minimumf>, %sub3A_104, %reduce_min3A_105 [1] : vector<2048x64xf32> to vector<2048xf32>
    %broadcast_in_dim3A_107 = vector.shape_cast %reduce_min3A_106 : vector<2048xf32> to vector<2048x1xf32>
    %iota3A_108 = tpu.iota {dimensions = array<i32: 1>} : vector<2048x64xi32>
    %convert_element_type3A_109 = arith.sitofp %iota3A_108 : vector<2048x64xi32> to vector<2048x64xf32>
    %eq3A_110 = vector.broadcast %broadcast_in_dim3A_107 : vector<2048x1xf32> to vector<2048x64xf32>
    %eq3A_111 = arith.cmpf oeq, %sub3A_104, %eq3A_110 : vector<2048x64xf32>
    %jit3A_112 = arith.constant 6.400000e+01 : f32
    %broadcast_in_dim3A_113 = vector.broadcast %jit3A_112 : f32 to vector<2048x64xf32>
    %select_n3A_114 = arith.select %eq3A_111, %convert_element_type3A_109, %broadcast_in_dim3A_113 : vector<2048x64xi1>, vector<2048x64xf32>
    %reduce_min3A_115 = arith.constant dense<0x7F800000> : vector<2048xf32>
    %reduce_min3A_116 = vector.multi_reduction <minimumf>, %select_n3A_114, %reduce_min3A_115 [1] : vector<2048x64xf32> to vector<2048xf32>
    %broadcast_in_dim3A_117 = vector.shape_cast %reduce_min3A_116 : vector<2048xf32> to vector<2048x1xf32>
    %add3A_118 = arith.constant 1.280000e+02 : f32
    %add3A_119 = vector.broadcast %add3A_118 : f32 to vector<2048x1xf32>
    %add3A_120 = arith.addf %broadcast_in_dim3A_117, %add3A_119 : vector<2048x1xf32>
    %reduce_sum3A_121 = vector.shape_cast %broadcast_in_dim3A_107 : vector<2048x1xf32> to vector<1x2048x1xf32>
    %reduce_sum3A_122 = arith.constant dense<0.000000e+00> : vector<1xf32>
    %reduce_sum3A_123 = vector.multi_reduction <add>, %reduce_sum3A_121, %reduce_sum3A_122 [1, 2] : vector<1x2048x1xf32> to vector<1xf32>
    %reduce_sum3A_124 = vector.shape_cast %reduce_sum3A_123 : vector<1xf32> to vector<1x1x1xf32>
    %reduce_sum3A_125 = vector.extract %reduce_sum3A_124[0, 0, 0] : f32 from vector<1x1x1xf32>
    %add3A_126 = arith.addf %add3A_80, %reduce_sum3A_125 : f32
    %slice3A_127 = vector.extract_strided_slice %get3A_1 {offsets = [0, 768], sizes = [2048, 256], strides = [1, 1]} : vector<2048x1024xf32> to vector<2048x256xf32>
    %get3A_128 = arith.constant 3 : index
    %get3A_129 = arith.constant 0 : index
    %get3A_130 = arith.constant 0 : index
    %get3A_131 = vector.load %arg2[%get3A_128, %get3A_129, %get3A_130] : memref<4x64x256xf32, #tpu.memory_space<vmem>>, vector<1x64x256xf32>
    %get3A_132 = vector.shape_cast %get3A_131 : vector<1x64x256xf32> to vector<64x256xf32>
    %transpose3A_133 = tpu.transpose %get3A_132, [1, 0] : vector<64x256xf32> -> vector<256x64xf32>
    %dot_general3A_134 = arith.constant dense<0.000000e+00> : vector<2048x64xf32>
    %dot_general3A_135 = tpu.matmul %slice3A_127, %transpose3A_133, %dot_general3A_134 {dimension_numbers = #tpu.dot_dimension_numbers<[1], [0], [0], [1], [0, 0, 1, 1], [], []>, transpose_lhs_hint = false} : vector<2048x256xf32>, vector<256x64xf32>, vector<2048x64xf32> -> vector<2048x64xf32>
    %mul3A_136 = arith.mulf %slice3A_127, %slice3A_127 : vector<2048x256xf32>
    %reduce_sum3A_137 = arith.constant dense<0.000000e+00> : vector<2048xf32>
    %reduce_sum3A_138 = vector.multi_reduction <add>, %mul3A_136, %reduce_sum3A_137 [1] : vector<2048x256xf32> to vector<2048xf32>
    %broadcast_in_dim3A_139 = vector.shape_cast %reduce_sum3A_138 : vector<2048xf32> to vector<2048x1xf32>
    %mul3A_140 = arith.mulf %get3A_132, %get3A_132 : vector<64x256xf32>
    %reduce_sum3A_141 = arith.constant dense<0.000000e+00> : vector<64xf32>
    %reduce_sum3A_142 = vector.multi_reduction <add>, %mul3A_140, %reduce_sum3A_141 [1] : vector<64x256xf32> to vector<64xf32>
    %broadcast_in_dim3A_143 = vector.shape_cast %reduce_sum3A_142 : vector<64xf32> to vector<1x64xf32>
    %add3A_144 = vector.broadcast %broadcast_in_dim3A_139 : vector<2048x1xf32> to vector<2048x64xf32>
    %add3A_145 = vector.broadcast %broadcast_in_dim3A_143 : vector<1x64xf32> to vector<2048x64xf32>
    %add3A_146 = arith.addf %add3A_144, %add3A_145 : vector<2048x64xf32>
    %mul3A_147 = arith.constant 2.000000e+00 : f32
    %mul3A_148 = vector.broadcast %mul3A_147 : f32 to vector<2048x64xf32>
    %mul3A_149 = arith.mulf %mul3A_148, %dot_general3A_135 : vector<2048x64xf32>
    %sub3A_150 = arith.subf %add3A_146, %mul3A_149 : vector<2048x64xf32>
    %reduce_min3A_151 = arith.constant dense<0x7F800000> : vector<2048xf32>
    %reduce_min3A_152 = vector.multi_reduction <minimumf>, %sub3A_150, %reduce_min3A_151 [1] : vector<2048x64xf32> to vector<2048xf32>
    %broadcast_in_dim3A_153 = vector.shape_cast %reduce_min3A_152 : vector<2048xf32> to vector<2048x1xf32>
    %iota3A_154 = tpu.iota {dimensions = array<i32: 1>} : vector<2048x64xi32>
    %convert_element_type3A_155 = arith.sitofp %iota3A_154 : vector<2048x64xi32> to vector<2048x64xf32>
    %eq3A_156 = vector.broadcast %broadcast_in_dim3A_153 : vector<2048x1xf32> to vector<2048x64xf32>
    %eq3A_157 = arith.cmpf oeq, %sub3A_150, %eq3A_156 : vector<2048x64xf32>
    %jit3A_158 = arith.constant 6.400000e+01 : f32
    %broadcast_in_dim3A_159 = vector.broadcast %jit3A_158 : f32 to vector<2048x64xf32>
    %select_n3A_160 = arith.select %eq3A_157, %convert_element_type3A_155, %broadcast_in_dim3A_159 : vector<2048x64xi1>, vector<2048x64xf32>
    %reduce_min3A_161 = arith.constant dense<0x7F800000> : vector<2048xf32>
    %reduce_min3A_162 = vector.multi_reduction <minimumf>, %select_n3A_160, %reduce_min3A_161 [1] : vector<2048x64xf32> to vector<2048xf32>
    %broadcast_in_dim3A_163 = vector.shape_cast %reduce_min3A_162 : vector<2048xf32> to vector<2048x1xf32>
    %add3A_164 = arith.constant 1.920000e+02 : f32
    %add3A_165 = vector.broadcast %add3A_164 : f32 to vector<2048x1xf32>
    %add3A_166 = arith.addf %broadcast_in_dim3A_163, %add3A_165 : vector<2048x1xf32>
    %reduce_sum3A_167 = vector.shape_cast %broadcast_in_dim3A_153 : vector<2048x1xf32> to vector<1x2048x1xf32>
    %reduce_sum3A_168 = arith.constant dense<0.000000e+00> : vector<1xf32>
    %reduce_sum3A_169 = vector.multi_reduction <add>, %reduce_sum3A_167, %reduce_sum3A_168 [1, 2] : vector<1x2048x1xf32> to vector<1xf32>
    %reduce_sum3A_170 = vector.shape_cast %reduce_sum3A_169 : vector<1xf32> to vector<1x1x1xf32>
    %reduce_sum3A_171 = vector.extract %reduce_sum3A_170[0, 0, 0] : f32 from vector<1x1x1xf32>
    %add3A_172 = arith.addf %add3A_126, %reduce_sum3A_171 : f32
    %concatenate3A = tpu.concatenate %broadcast_in_dim3A_24, %broadcast_in_dim3A_71, %broadcast_in_dim3A_117, %broadcast_in_dim3A_163 in 1 : vector<2048x1xf32>, vector<2048x1xf32>, vector<2048x1xf32>, vector<2048x1xf32> -> vector<2048x4xf32>
    %convert_element_type3A_173 = arith.fptosi %concatenate3A : vector<2048x4xf32> to vector<2048x4xi32>
    %swap3A = arith.constant 0 : index
    %swap3A_174 = arith.constant 0 : index
    %swap3A_175 = vector.load %arg3[%swap3A, %swap3A_174] : memref<2048x4xi32, #tpu.memory_space<vmem>>, vector<2048x4xi32>
    tpu.vector_store %arg3[%swap3A, %swap3A_174], %convert_element_type3A_173 {strides = array<i32>} : memref<2048x4xi32, #tpu.memory_space<vmem>>, vector<2048x4xi32>,
    %concatenate3A_176 = tpu.concatenate %add3A_27, %add3A_74, %add3A_120, %add3A_166 in 1 : vector<2048x1xf32>, vector<2048x1xf32>, vector<2048x1xf32>, vector<2048x1xf32> -> vector<2048x4xf32>
    %convert_element_type3A_177 = arith.fptosi %concatenate3A_176 : vector<2048x4xf32> to vector<2048x4xi32>
    %swap3A_178 = arith.constant 0 : index
    %swap3A_179 = arith.constant 0 : index
    %swap3A_180 = vector.load %arg4[%swap3A_178, %swap3A_179] : memref<2048x4xi32, #tpu.memory_space<vmem>>, vector<2048x4xi32>
    tpu.vector_store %arg4[%swap3A_178, %swap3A_179], %convert_element_type3A_177 {strides = array<i32>} : memref<2048x4xi32, #tpu.memory_space<vmem>>, vector<2048x4xi32>,
    %reshape3A = vector.broadcast %add3A_172 : f32 to vector<1x1xf32>
    %eq3A_181 = arith.constant 0 : i32
    %eq3A_182 = arith.cmpi eq, %arg0, %eq3A_181 : i32
    %convert_element_type3A_183 = arith.extui %eq3A_182 : i1 to i32
    %cond3A = arith.constant 0 : i32
    %cond3A_184 = arith.cmpi ne, %convert_element_type3A_183, %cond3A : i32
    scf.if %cond3A_184 {
      %swap3A_189 = arith.constant 0 : index
      %swap3A_190 = arith.constant 0 : index
      %swap3A_191 = vector.load %arg5[%swap3A_189, %swap3A_190] : memref<1x1xf32, #tpu.memory_space<vmem>>, vector<1x1xf32>
      tpu.vector_store %arg5[%swap3A_189, %swap3A_190], %reshape3A {strides = array<i32>} : memref<1x1xf32, #tpu.memory_space<vmem>>, vector<1x1xf32>,
    } else {
    }
    %ne3A = arith.constant 0 : i32
    %ne3A_185 = arith.cmpi ne, %arg0, %ne3A : i32
    %convert_element_type3A_186 = arith.extui %ne3A_185 : i1 to i32
    %cond3A_187 = arith.constant 0 : i32
    %cond3A_188 = arith.cmpi ne, %convert_element_type3A_186, %cond3A_187 : i32
    scf.if %cond3A_188 {
      %get3A_189 = arith.constant 0 : index
      %get3A_190 = arith.constant 0 : index
      %get3A_191 = vector.load %arg5[%get3A_189, %get3A_190] : memref<1x1xf32, #tpu.memory_space<vmem>>, vector<1x1xf32>
      %add3A_192 = arith.addf %get3A_191, %reshape3A : vector<1x1xf32>
      %swap3A_193 = arith.constant 0 : index
      %swap3A_194 = arith.constant 0 : index
      %swap3A_195 = vector.load %arg5[%swap3A_193, %swap3A_194] : memref<1x1xf32, #tpu.memory_space<vmem>>, vector<1x1xf32>
      tpu.vector_store %arg5[%swap3A_193, %swap3A_194], %add3A_192 {strides = array<i32>} : memref<1x1xf32, #tpu.memory_space<vmem>>, vector<1x1xf32>,
    } else {
    }
    return
  }
  func.func @transform_0(%arg0: i32) -> (i32, i32) {
    %c0_i32 = arith.constant 0 : i32
    %c0_i32_0 = arith.constant 0 : i32
    return %arg0, %c0_i32 : i32, i32
  }
  func.func @transform_1(%arg0: i32) -> (i32, i32, i32) {
    %c0_i32 = arith.constant 0 : i32
    %c0_i32_0 = arith.constant 0 : i32
    %c0_i32_1 = arith.constant 0 : i32
    %c0_i32_2 = arith.constant 0 : i32
    return %c0_i32, %c0_i32_0, %c0_i32_1 : i32, i32, i32
  }
  func.func @transform_2(%arg0: i32) -> (i32, i32) {
    %c0_i32 = arith.constant 0 : i32
    %c0_i32_0 = arith.constant 0 : i32
    return %arg0, %c0_i32 : i32, i32
  }
  func.func @transform_3(%arg0: i32) -> (i32, i32) {
    %c0_i32 = arith.constant 0 : i32
    %c0_i32_0 = arith.constant 0 : i32
    return %arg0, %c0_i32 : i32, i32
  }
  func.func @transform_4(%arg0: i32) -> (i32, i32) {
    %c0_i32 = arith.constant 0 : i32
    %c0_i32_0 = arith.constant 0 : i32
    %c0_i32_1 = arith.constant 0 : i32
    return %c0_i32, %c0_i32_0 : i32, i32
  }
}

</mosaic_0001>

<sc_bundles>
// kernel: kernel.4.cloned.1.call-start
scs
__scs_entry_jumppad:
0x0: {  	(pc) =	sbr.rel $0x88, $3  }
0x1: {  	(tag) =	ssettag $0x0;
	lr =	simm.s32 $0x1  }
0x2: {  	[smem:$0x3F9F] =	sst lr;
	_ =	strace $0xD0000000  }
0x3: {  	_ = 	snop  }
0x4: {  	_ = 	snop  }
0x5: {  	_ = 	snop  }
0x6: {  	_ = 	snop  }
0x7: {  	_ = 	snop  }
__scs_overlays_trampoline_lowered:
0x8: {  	[smem:$0x3FAE] =	sst s0  }
0x9: {  	[smem:$0x3FAF] =	sst s1  }
0xa: {  	[smem:$0x3FB0] =	sst s2  }
0xb: {  	[smem:$0x3FB1] =	sst s3  }
0xc: {  	[smem:$0x3FB2] =	sst s4  }
0xd: {  	[smem:$0x3FB3] =	sst s5  }
0xe: {  	[smem:$0x3FB4] =	sst s6  }
0xf: {  	[smem:$0x3FB5] =	sst s7  }
0x10: {  	[smem:$0x3FB6] =	sst s8  }
0x11: {  	[smem:$0x3FB7] =	sst s9;
	s0 =	simm.s32 @!p0 $0x0  }
0x12: {  	s1 =	sld [smem:$0x3F9D];
	s0 =	simm.s32 @p0 $0x1  }
0x13: {  	[smem:$0x3FB8] =	sst s0;
	s0 =	simm.s32 @!p1 $0x0  }
0x14: {  	s2 =	sld [smem:$0x3F9C];
	s0 =	simm.s32 @p1 $0x1  }
0x15: {  	[smem:$0x3FB9] =	sst s0;
	s0 =	simm.s32 @!p2 $0x0  }
0x16: {  	s3 =	sld [smem:$0x3FDB];
	s0 =	simm.s32 @p2 $0x1  }
0x17: {  	s4 =	simm.s32 $0x1BF5;
	[smem:$0x3FBB] =	sst s0  }
0x18: {  	s0 =	sld [smem:$0x3F9E];
	_ =	swait.ge [sflag:s4], $0x0  }
0x19: {  	s7 =	sld [smem:$0x3F9F]  }
0x1a: {  	s8 =	sadd.s32 $0xFFFFE003, lr  }
0x1b: {  	s9 =	sadd.s32 $0xFFFFFEF7, lr;
	s5 =	simm.s32 $0xFFFFFFFF;
	p2 =	slt.u32 s8, $0xFFFFF086  }
0x1c: {  	p1 =	slt.u32 s9, $0xF7A;
	s5 =	simm.s32 @!p2 $0x0  }
0x1d: {  	s5 =	simm.s32 @p1 $0x1;
	p0 =	seq.s32 s7, s2  }
0x1e: {  	s7 =	smul.u32 @!p0 $0xF7A, s2;
	p2 =	seq.s32 @!p0 s5, $0x0  }
0x1f: {  	s9 =	smul.u32 $0xF7A, s1;
	s8 =	simm.s32 @!p0 $0x1BF5;
	p2 =	por !p2, p0  }
0x20: {  	[sflag:s8] =	ssyncset.s32 @!p0 $0xFFFFF086;
	s6 =	sadd.s32 @!p0 s3, s7;
	s7 =	simm.s32 @!p0 $0x108  }
0x21: {  	s3 =	sadd.s32 s3, s9;
	s6 =	sadd.s32 @!p0 $0x88, s6;
	s7 =	simm.s32 @p2 $0x1082  }
0x22: {  	[simem:s7], [sflag:s8] =	dma.local @!p0 [hbm:s6], $0xF7A  }
0x23: {  	s9 =	sor.u32 $0xD0000000, s2;
	s6 =	simm.s32 $0x108;
	_ =	swait.ge @!p0 [sflag:s8], $0x0  }
0x24: {  	s3 =	sadd.s32 $0x88, s3;
	s6 =	simm.s32 @!p1 $0x1082;
	[sflag:s4] =	ssyncset.s32 $0xFFFFF086  }
0x25: {  	[simem:s6], [sflag:s4] =	dma.local [hbm:s3], $0xF7A  }
0x26: {  	[smem:$0x3F9F] =	sst s1;
	(tag) =	ssettag s2;
	_ =	strace s9  }
0x27: {  	s1 =	sld [smem:$0x3FAF]  }
0x28: {  	s2 =	sld [smem:$0x3FB0]  }
0x29: {  	s4 =	sld [smem:$0x3FB2]  }
0x2a: {  	p0 =	seq.s32 s5, $0x0;
	s5 =	sld [smem:$0x3FB3]  }
0x2b: {  	s6 =	sld [smem:$0x3FB4]  }
0x2c: {  	s7 =	sld [smem:$0x3FB5]  }
0x2d: {  	s3 =	simm.s32 $0x108;
	s8 =	sld [smem:$0x3FB6]  }
0x2e: {  	s3 =	simm.s32 @!p0 $0x1082;
	s9 =	sld [smem:$0x3FB7]  }
0x2f: {  	lr =	sadd.s32 s0, s3;
	s0 =	sld [smem:$0x3FAE]  }
0x30: {  	s3 =	sld [smem:$0x3FB1]  }
0x31: {  	[smem:$0x3FBA] =	sst s10  }
0x32: {  	s10 =	sld [smem:$0x3FB8];
	_ =	sdelay $0x3  }
0x33: {  	p0 =	seq.s32 s10, $0x1;
	s10 =	sld [smem:$0x3FBA];
	_ =	sdelay $0x3  }
0x34: {  	[smem:$0x3FBA] =	sst s10  }
0x35: {  	s10 =	sld [smem:$0x3FB9];
	_ =	sdelay $0x3  }
0x36: {  	p1 =	seq.s32 s10, $0x1;
	s10 =	sld [smem:$0x3FBA];
	_ =	sdelay $0x3  }
0x37: {  	[smem:$0x3FBA] =	sst s10  }
0x38: {  	s10 =	sld [smem:$0x3FBB]  }
0x39: {  	_ = 	snop;
	(pc) =	sbr.ind lr, $3  }
0x3a: {  	_ = 	snop  }
0x3b: {  	_ = 	snop  }
0x3c: {  	p2 =	seq.s32 s10, $0x1;
	s10 =	sld [smem:$0x3FBA]  }
0x3d: {  	_ =	shalt  }
0x3e: {  	_ =	shalt  }
0x3f: {  	_ =	shalt  }
0x40: {  	_ =	shalt  }
0x41: {  	_ =	shalt  }
0x42: {  	_ =	shalt  }
0x43: {  	_ =	shalt  }
0x44: {  	_ =	shalt  }
0x45: {  	_ =	shalt  }
0x46: {  	_ =	shalt  }
0x47: {  	_ =	shalt  }
0x48: {  	_ =	shalt  }
0x49: {  	_ =	shalt  }
0x4a: {  	_ =	shalt  }
0x4b: {  	_ =	shalt  }
0x4c: {  	_ =	shalt  }
0x4d: {  	_ =	shalt  }
0x4e: {  	_ =	shalt  }
0x4f: {  	_ =	shalt  }
0x50: {  	_ =	shalt  }
0x51: {  	_ =	shalt  }
0x52: {  	_ =	shalt  }
0x53: {  	_ =	shalt  }
0x54: {  	_ =	shalt  }
0x55: {  	_ =	shalt  }
0x56: {  	_ =	shalt  }
0x57: {  	_ =	shalt  }
0x58: {  	_ =	shalt  }
0x59: {  	_ =	shalt  }
0x5a: {  	_ =	shalt  }
0x5b: {  	_ =	shalt  }
0x5c: {  	_ =	shalt  }
0x5d: {  	_ =	shalt  }
0x5e: {  	_ =	shalt  }
0x5f: {  	_ =	shalt  }
0x60: {  	_ =	shalt  }
0x61: {  	_ =	shalt  }
0x62: {  	_ =	shalt  }
0x63: {  	_ =	shalt  }
0x64: {  	_ =	shalt  }
0x65: {  	_ =	shalt  }
0x66: {  	_ =	shalt  }
0x67: {  	_ =	shalt  }
0x68: {  	_ =	shalt  }
0x69: {  	_ =	shalt  }
0x6a: {  	_ =	shalt  }
0x6b: {  	_ =	shalt  }
0x6c: {  	_ =	shalt  }
0x6d: {  	_ =	shalt  }
0x6e: {  	_ =	shalt  }
0x6f: {  	_ =	shalt  }
0x70: {  	_ =	shalt  }
0x71: {  	_ =	shalt  }
0x72: {  	_ =	shalt  }
0x73: {  	_ =	shalt  }
0x74: {  	_ =	shalt  }
0x75: {  	_ =	shalt  }
0x76: {  	_ =	shalt  }
0x77: {  	_ =	shalt  }
0x78: {  	_ =	shalt  }
0x79: {  	_ =	shalt  }
0x7a: {  	_ =	shalt  }
0x7b: {  	_ =	shalt  }
0x7c: {  	_ =	shalt  }
0x7d: {  	_ =	shalt  }
0x7e: {  	_ =	shalt  }
0x7f: {  	_ =	shalt  }
0x80: {  	_ =	shalt  }
0x81: {  	_ =	shalt  }
0x82: {  	_ =	shalt  }
0x83: {  	_ =	shalt  }
0x84: {  	_ =	shalt  }
0x85: {  	_ =	shalt  }
0x86: {  	_ =	shalt  }
0x87: {  	_ =	shalt  }
.Lfunc_end0:
.L_simem_size_0:
called_computation_lowered:
.L_overlay_start_0:
0x88: {  	s2 =	sld [smem:$0x3FD9]  }
0x89: {  	s3 =	sld [smem:$0x3FFE];
	_ =	sdelay $0x1  }
0x8a: {  	s1 =	srdreg.scid  }
0x8b: {  	s0 =	sand.u32 $0x1, s1  }
0x8c: {  	s16 =	sshll.u32 s0, $0xA;
	s2 =	sadd.s32 s3, s2  }
0x8d: {  	s2 =	sadd.s32 s2, s16  }
0x8e: {  	[smem:$0x3FC6] =	sst s2  }
0x8f: {  	_ = 	snop  }
0x90: {  	(tm) =	ssettm $0x1  }
0x91: {  	s17 =	sld [smem:$0x3FFB];
	_ =	sdelay $0x3  }
0x92: {  	_ =	strace s17  }
0x93: {  	s2 =	sld [smem:$0x3FFC];
	_ =	sdelay $0x3  }
0x94: {  	_ =	strace s2  }
0x95: {  	s2 =	sld [smem:$0x3FFD];
	_ =	sdelay $0x3  }
0x96: {  	_ =	strace s2  }
0x97: {  	_ =	strace $0x8FFFFFFF  }
0x98: {  	s18 =	sld [smem:$0x3FDB];
	_ =	sdelay $0x1  }
0x99: {  	s19 =	simm.s32 $_scs_section_size  }
0x9a: {  	s4 =	simm.s32 $_size__tile_overlayer_lowered;
	s5 =	simm.s32 $_tile_overlayer_lowered  }
0x9b: {  	s22 =	simm.s32 $0x1BFF;
	s21 =	sshll.u32 s5, $0x1;
	s2 =	sadd.s32 s19, s18  }
0x9c: {  	s6 =	simm.s32 $0x0;
	s20 =	sshll.u32 s4, $0x1;
	s4 =	sadd.s32 s21, s2  }
0x9d: {  	[timem:s6], [sflag:s22] =	dma.local [hbm:s4], s20  }
0x9e: {  	_ =	swait.ge [sflag:s22], s20  }
0x9f: {  	s3 =	ssub.s32 $0x0, s20;
	[sflag:s22] =	ssyncset.done $0x0  }
0xa0: {  	[sflag:s22] =	ssyncadd.s32 s3;
	_ =	sdelay $0x1  }
0xa1: {  	s23 =	simm.s32 $0x1B8B  }
0xa2: {  	_ =	swait.ge [sflag:s23], $0x1  }
0xa3: {  	[sflag:s23] =	ssyncset.done $0x0  }
0xa4: {  	s25 =	simm.s32 $0x1B8E;
	s24 =	sld [smem:$0x3FFE];
	[sflag:s23] =	ssyncadd.s32 $0xFFFFFFFF  }
0xa5: {  	s26 =	simm.s32 $execute0_lowered;
	[smem:$0x3FD2] =	sst s25  }
0xa6: {  	s4 =	sshll.u32 s26, $0x1;
	_ =	strace $0x80000046;
	[dreg:$0x1] =	wrdreg $0xFFFFFFFF  }
0xa7: {  	s28 =	simm.s32 $_size_execute0_lowered;
	s2 =	sadd.s32 s2, s4;
	[dreg:$0x0] =	wrdreg $0x0  }
0xa8: {  	s4 =	sshll.u32 s28, $0x1;
	[dreg:$0x2] =	wrdreg s2  }
0xa9: {  	[dreg:$0x3] =	wrdreg s4  }
0xaa: {  	[dreg:$0x4] =	wrdreg $0xC0  }
0xab: {  	_ =	task [dreg:s6], $0x5FFFF  }
0xac: {  	[dreg:$0x1] =	wrdreg $0xFFFFFFFF  }
0xad: {  	[dreg:$0x0] =	wrdreg $0x60  }
0xae: {  	[dreg:$0x2] =	wrdreg s24  }
0xaf: {  	[dreg:$0x3] =	wrdreg $0x9  }
0xb0: {  	_ =	task.clear_ibuf [dreg:s6], $0x4FFFF;
	_ =	strace $0x90000046  }
0xb1: {  	s29 =	simm.s32 $0x9;
	_ =	strace $0x80000048  }
0xb2: {  	_ =	swait.ge [sflag:s29], $0x1  }
0xb3: {  	[sflag:s29] =	ssyncadd.s32 $0xFFFFFFFF  }
0xb4: {  	_ =	strace $0x90000048  }
0xb5: {  	_ =	sfence  }
0xb6: {  	s30 =	sld [smem:$0x0];
	_ =	sdelay $0x2  }
0xb7: {  	s31 =	sshll.u32 s1, $0xD;
	s1 =	sshrl.u32 s1, $0x2  }
0xb8: {  	s3 =	sand.u32 $0x4000, s31;
	s1 =	sadd.s32 s1, s30  }
0xb9: {  	s0 =	sor.u32 s3, s0;
	s1 =	sshll.u32 s1, $0x11  }
0xba: {  	s0 =	sor.u32 s1, s0  }
0xbb: {  	s0 =	sadd.s32 $0x8F2B, s0  }
0xbc: {  	[sflag:s0] =	ssyncadd.remote.s32 $0x1  }
0xbd: {  	_ =	sfence.sel $0xFFFF  }
0xbe: {  	[dreg:$0x0] =	wrdreg $0xFFFFFFFF;
	(pc) =	sbr.abs _section_cstart, $3  }
0xbf: {  	[dreg:$0x1] =	wrdreg $0xFFFFFFFF  }
0xc0: {  	_ =	task.clear_ibuf [dreg:s6], $0x2FFFF;
	_ =	strace $0x9FFFFFFF  }
0xc1: {  	(tm) =	ssettm $0x7FFFFFFF  }
tec
execute0_lowered:
.L_overlay_start_1:
0x0: {  	(tag) =	ssettag $0x1  }
0x1: {  	s1 =	srdreg.scid  }
0x2: {  	s0 =	stileid.u32;
	s3 =	rddreg [dreg:$0x0];
	s2 =	simm.s32 $0x0  }
0x3: {  	s12 =	simm.s32 $0x6000;
	s13 =	simm.s32 $0x1;
	s14 =	simm.s32 $0x8000  }
0x4: {  	s15 =	simm.s32 $0x2;
	s16 =	simm.s32 $0xA000;
	s17 =	simm.s32 $0x3  }
0x5: {  	s18 =	simm.s32 $0x4;
	s8 =	sand.u32 $0x1, s1;
	s1 =	rddreg [dreg:$0x1]  }
0x6: {  	s19 =	simm.s32 $0x0;
	s4 =	sshll.u32 s0, $0x1;
	[smem:$0x7FF] =	sst s2  }
0x7: {  	s9 =	sadd.s32 $0x90A00, s3;
	s11 =	sshll.u32 s0, $0x12;
	s4 =	sor.u32 s8, s4  }
0x8: {  	_ =	strace $0x80000047;
	s6 =	ssub.s32 $0x2, s8;
	s31 =	sshll.u32 s8, $0x11  }
0x9: {  	s5 =	sshll.u32 s4, $0xB;
	s30 =	sshrl.u32 s6, $0x1;
	s4 =	sshll.u32 s4, $0x11  }
0xa: {  	s5 =	sadd.s32 s5, s3;
	s10 =	ssub.s32 s6, s30;
	s4 =	sadd.s32 s9, s4  }
0xb: {  	s9 =	sadd.s32 s11, s9;
	s11 =	simm.s32 $0x4000;
	s3 =	sadd.s32 $0x80A00, s5  }
0xc: {  	s5 =	sadd.s32 $0x400, s4;
	s6 =	sadd.s32 $0x1F800, s4;
	s7 =	sadd.s32 $0x1FC00, s4  }
0xd: {  	s8 =	smax.u32 s10, $0x1;
	s9 =	sadd.s32 s31, s9;
	s10 =	simm.s32 $0x5  }
.LBB2_1:
0xe: {  	[tilespmem:s2], [sflag:$0x5] =	stream.linear.gather [hbm4b:s3+s2], $0x4000, $0x38;
	[tilespmem:$0xC000] =	vst v63  }
0xf: {  	_ =	swait.ge [sflag:s10], $0x4000  }
0x10: {  	[sflag:s10] =	ssyncset.done $0x0  }
0x11: {  	[sflag:s10] =	ssyncadd.s32 $0xFFFFC000  }
0x12: {  	[hbm4b:s4+s2] =	stream.linear.scatter [tilespmem:s11], [sflag:$0x1], $0x2000, $0x38;
	[tilespmem:$0xC000] =	vst v63  }
0x13: {  	_ = 	snop  }
0x14: {  	[hbm4b:s5+s2] =	stream.linear.scatter [tilespmem:s12], [sflag:$0x2], $0x2000, $0x38;
	[tilespmem:$0xC000] =	vst v63  }
0x15: {  	_ =	swait.ge [sflag:s13], $0x2000  }
0x16: {  	s21 =	sadd.s32 $0x0, s9;
	[sflag:s13] =	ssyncset.done $0x0  }
0x17: {  	s20 =	sadd.s32 $0x800, s21;
	[sflag:s13] =	ssyncadd.s32 $0xFFFFE000  }
0x18: {  	[hbm4b:s20+s2] =	stream.linear.scatter [tilespmem:s14], [sflag:$0x3], $0x2000, $0x38;
	[tilespmem:$0xC000] =	vst v63  }
0x19: {  	_ =	swait.ge [sflag:s15], $0x2000  }
0x1a: {  	[sflag:s15] =	ssyncset.done $0x0  }
0x1b: {  	s30 =	sadd.s32 $0xC00, s21;
	[sflag:s15] =	ssyncadd.s32 $0xFFFFE000  }
0x1c: {  	[hbm4b:s30+s2] =	stream.linear.scatter [tilespmem:s16], [sflag:$0x4], $0x2000, $0x38;
	[tilespmem:$0xC000] =	vst v63  }
0x1d: {  	_ =	swait.ge [sflag:s17], $0x2000  }
0x1e: {  	[sflag:s17] =	ssyncset.done $0x0  }
0x1f: {  	s31 =	sadd.s32 $0x1000, s21;
	[sflag:s17] =	ssyncadd.s32 $0xFFFFE000  }
0x20: {  	[hbm4b:s31+s2] =	stream.linear.scatter [tilespmem:s11], [sflag:$0x1], $0x2000, $0x38;
	[tilespmem:$0xC000] =	vst v63  }
0x21: {  	_ =	swait.ge [sflag:s18], $0x2000  }
0x22: {  	[sflag:s18] =	ssyncset.done $0x0  }
0x23: {  	s21 =	sadd.s32 $0x1400, s21;
	s20 =	simm.s32 $0x1000;
	[sflag:s18] =	ssyncadd.s32 $0xFFFFE000  }
.LBB2_2:
0x24: {  	[hbm4b:s21+s2] =	stream.linear.scatter [tilespmem:s12], [sflag:$0x2], $0x2000, $0x38;
	[tilespmem:$0xC000] =	vst v63  }
0x25: {  	s21 =	smov.u32 s20  }
0x26: {  	p0 =	sne.s32 s20, $0x1E000;
	s20 =	sadd.s32 $0x1000, s20;
	_ =	swait.ge [sflag:s13], $0x2000  }
0x27: {  	s21 =	sadd.s32 s21, s9;
	[sflag:s13] =	ssyncset.done $0x0  }
0x28: {  	s22 =	sadd.s32 $0x800, s21;
	[sflag:s13] =	ssyncadd.s32 $0xFFFFE000  }
0x29: {  	[hbm4b:s22+s2] =	stream.linear.scatter [tilespmem:s14], [sflag:$0x3], $0x2000, $0x38;
	[tilespmem:$0xC000] =	vst v63  }
0x2a: {  	_ =	swait.ge [sflag:s15], $0x2000  }
0x2b: {  	[sflag:s15] =	ssyncset.done $0x0  }
0x2c: {  	s22 =	sadd.s32 $0xC00, s21;
	[sflag:s15] =	ssyncadd.s32 $0xFFFFE000  }
0x2d: {  	[hbm4b:s22+s2] =	stream.linear.scatter [tilespmem:s16], [sflag:$0x4], $0x2000, $0x38;
	[tilespmem:$0xC000] =	vst v63  }
0x2e: {  	_ =	swait.ge [sflag:s17], $0x2000  }
0x2f: {  	[sflag:s17] =	ssyncset.done $0x0  }
.Ltmp0:
0x30: {  	s22 =	sadd.s32 $0x1000, s21;
	[sflag:s17] =	ssyncadd.s32 $0xFFFFE000;
	(pc) =	sbr.rel @p0 .LBB2_2-.Ltmp0, $4  }
0x31: {  	[hbm4b:s22+s2] =	stream.linear.scatter [tilespmem:s11], [sflag:$0x1], $0x2000, $0x38;
	[tilespmem:$0xC000] =	vst v63  }
0x32: {  	_ =	swait.ge [sflag:s18], $0x2000  }
0x33: {  	[sflag:s18] =	ssyncset.done $0x0  }
0x34: {  	s21 =	sadd.s32 $0x1400, s21;
	[sflag:s18] =	ssyncadd.s32 $0xFFFFE000  }
0x35: {  	[hbm4b:s21+s2] =	stream.linear.scatter [tilespmem:s12], [sflag:$0x2], $0x2000, $0x38;
	[tilespmem:$0xC000] =	vst v63  }
0x36: {  	_ = 	snop  }
0x37: {  	[hbm4b:s6+s2] =	stream.linear.scatter [tilespmem:s14], [sflag:$0x3], $0x2000, $0x38;
	[tilespmem:$0xC000] =	vst v63  }
0x38: {  	_ = 	snop  }
0x39: {  	[hbm4b:s7+s2] =	stream.linear.scatter [tilespmem:s16], [sflag:$0x4], $0x2000, $0x38;
	[tilespmem:$0xC000] =	vst v63  }
0x3a: {  	_ =	swait.ge [sflag:s13], $0x2000  }
0x3b: {  	[sflag:s13] =	ssyncset.done $0x0  }
0x3c: {  	[sflag:s13] =	ssyncadd.s32 $0xFFFFE000  }
0x3d: {  	_ =	swait.ge [sflag:s15], $0x2000  }
0x3e: {  	[sflag:s15] =	ssyncset.done $0x0  }
0x3f: {  	s19 =	sadd.s32 $0x1, s19;
	[sflag:s15] =	ssyncadd.s32 $0xFFFFE000  }
0x40: {  	p0 =	sne.s32 s19, s8;
	_ =	swait.ge [sflag:s17], $0x2000  }
.Ltmp1:
0x41: {  	[sflag:s17] =	ssyncset.done $0x0;
	(pc) =	sbr.rel @p0 .LBB2_1-.Ltmp1, $4  }
0x42: {  	[sflag:s17] =	ssyncadd.s32 $0xFFFFE000  }
0x43: {  	_ =	swait.ge [sflag:s18], $0x2000  }
0x44: {  	[sflag:s18] =	ssyncset.done $0x0  }
0x45: {  	[sflag:s18] =	ssyncadd.s32 $0xFFFFE000  }
0x46: {  	_ =	sfence.sel $0x180000  }
0x47: {  	[bflag:$0x0] =	sbarrier.arrive $0xFFFF  }
0x48: {  	p0 =	sne.s32 s0, $0x0;
	_ =	strace $0x90000047  }
0x49: {  	s0 =	sadd.s32 @!p0 $0x100000, s1;
	[bflag:$0x2] =	sbarrier.arrive $0xFFFF  }
0x4a: {  	[sflag:s0] =	ssyncadd.tile.s32 @!p0 $0x1;
	_ =	shalt  }
.Lfunc_end2:
_tile_overlayer_lowered:
.L_overlay_start_2:
0x4b: {  	(tag) =	ssettag $0x2  }
0x4c: {  	s0 =	rddreg [dreg:$0x0];
	s2 =	stileid.u32  }
0x4d: {  	s1 =	rddreg [dreg:$0x1];
	p0 =	sne.s32 s2, $0x0  }
0x4e: {  	s3 =	rddreg [dreg:$0x2];
	[bflag:$0x3] =	sbarrier.arrive $0xFFFF;
	s2 =	simm.s32 @!p0 $0x1C05  }
0x4f: {  	[timem:s3], [sflag:s2] =	dma.local @!p0 [hbm:s0], s1  }
0x50: {  	s0 =	simm.s32 @!p0 $0x5  }
0x51: {  	_ =	swait.ge @!p0 [sflag:s0], s1  }
0x52: {  	s1 =	ssub.s32 @!p0 $0x0, s1;
	[sflag:s0] =	ssyncset.done @!p0 $0x0  }
0x53: {  	[sflag:s0] =	ssyncadd.s32 @!p0 s1  }
0x54: {  	[bflag:$0x3] =	sbarrier.arrive $0xFFFF  }
0x55: {  	_ =	shalt  }

</sc_bundles>
